<compile_context>
chip_gen: v7x
topology: tpu7x:2x2x1
jax: 0.10.2.dev20260603
libtpu: 0.0.44.dev20260713+nightly
codegen_flags: <defaults>
</compile_context>

<pallas_src>
import functools
import jax
import jax.numpy as jnp
from jax import lax
from jax.experimental import pallas as pl
from jax.experimental.pallas import tpu as pltpu
from jax.experimental.pallas import tpu_sc as plsc

_NC = 2
_NS = 16
_NW = _NC * _NS

_BATCH = 16384
_EMB = 64
_CAT = 2 * _EMB
_BPW = _BATCH // _NW
_CHK = _BPW // 2


def _sc_gather_body(ids_hbm, tab, out, c0, c1, b0, b1, sg, sw0, sw1):
    wid = lax.axis_index("s") * _NC + lax.axis_index("c")
    base = wid * _BPW
    pltpu.sync_copy(ids_hbm.at[pl.ds(base, _CHK)], c0)
    pltpu.sync_copy(ids_hbm.at[pl.ds(base + _CHK, _CHK)], c1)

    pltpu.async_copy(tab.at[c0], b0, sg).wait()
    w0 = pltpu.async_copy(b0, out.at[pl.ds(base, _CHK), :], sw0)
    pltpu.async_copy(tab.at[c1], b1, sg).wait()
    w1 = pltpu.async_copy(b1, out.at[pl.ds(base + _CHK, _CHK), :], sw1)
    w0.wait()
    w1.wait()


def _sc_gather(ids, tab):
    mesh = plsc.VectorSubcoreMesh(
        core_axis_name="c", subcore_axis_name="s",
        num_cores=_NC, num_subcores=_NS)
    out = jax.ShapeDtypeStruct((_BATCH, _CAT), jnp.float32)
    k = pl.kernel(
        _sc_gather_body,
        out_type=out,
        mesh=mesh,
        scratch_types=[
            pltpu.VMEM((_CHK,), jnp.int32),
            pltpu.VMEM((_CHK,), jnp.int32),
            pltpu.VMEM((_CHK, _CAT), jnp.float32),
            pltpu.VMEM((_CHK, _CAT), jnp.float32),
            pltpu.SemaphoreType.DMA,
            pltpu.SemaphoreType.DMA,
            pltpu.SemaphoreType.DMA,
        ],
    )
    return k(ids, tab)


_CBLK = 8192


def _pack_body(at_ref, bt_ref, out_ref):
    eye = jnp.eye(_EMB, dtype=jnp.float32)
    dn = (((0,), (0,)), ((), ()))
    out_ref[:, 0:_EMB] = lax.dot_general(
        at_ref[...], eye, dn, preferred_element_type=jnp.float32)
    out_ref[:, _EMB:] = lax.dot_general(
        bt_ref[...], eye, dn, preferred_element_type=jnp.float32)


def _pack(at, bt):
    n = at.shape[1]
    grid = pl.cdiv(n, _CBLK)
    return pl.pallas_call(
        _pack_body,
        grid=(grid,),
        in_specs=[pl.BlockSpec((_EMB, _CBLK), lambda i: (0, i)),
                  pl.BlockSpec((_EMB, _CBLK), lambda i: (0, i))],
        out_specs=pl.BlockSpec((_CBLK, _CAT), lambda i: (i, 0)),
        out_shape=jax.ShapeDtypeStruct((n, _CAT), jnp.float32),
    )(at, bt)


_BLK = 4096


def _mlp_body(gu_ref, gi_ref, w1_ref, b1_ref, w2_ref, b2_ref,
              wo_ref, bo_ref, out_ref):
    h1 = jnp.dot(gu_ref[:, _EMB:], w1_ref[0:_EMB, :],
                 preferred_element_type=jnp.float32)
    h1 += jnp.dot(gi_ref[:, _EMB:], w1_ref[_EMB:, :],
                  preferred_element_type=jnp.float32)
    h1 = jnp.maximum(h1 + b1_ref[...], 0.0)
    h2 = jnp.dot(h1, w2_ref[...], preferred_element_type=jnp.float32)
    h2 = jnp.maximum(h2 + b2_ref[...], 0.0)
    mf = gu_ref[:, 0:_EMB] * gi_ref[:, 0:_EMB]
    o = jnp.dot(mf, wo_ref[0:_EMB, :], preferred_element_type=jnp.float32)
    o += jnp.dot(h2, wo_ref[_EMB:, :], preferred_element_type=jnp.float32)
    out_ref[...] = o[:, 0] + bo_ref[0]


def _mlp(gu, gi, W1, b1, W2, b2, W_out, b_out):
    n_blk = _BATCH // _BLK
    row_spec = pl.BlockSpec((_BLK, _CAT), lambda i: (i, 0))
    full = lambda s: pl.BlockSpec(s, lambda i: tuple(0 for _ in s))
    return pl.pallas_call(
        _mlp_body,
        grid=(n_blk,),
        in_specs=[
            row_spec, row_spec,
            full(W1.shape), full(b1.shape), full(W2.shape), full(b2.shape),
            full(W_out.shape), full(b_out.shape),
        ],
        out_specs=pl.BlockSpec((_BLK,), lambda i: (i,)),
        out_shape=jax.ShapeDtypeStruct((_BATCH,), jnp.float32),
    )(gu, gi, W1, b1, W2, b2, W_out, b_out)


@jax.jit
def kernel(user_ids, item_ids, user_emb_mf, item_emb_mf, user_emb_mlp,
           item_emb_mlp, W1, b1, W2, b2, W_out, b_out):
    ucat = _pack(user_emb_mf.T, user_emb_mlp.T)
    gu = _sc_gather(user_ids, ucat)
    icat = _pack(item_emb_mf.T, item_emb_mlp.T)
    gi = _sc_gather(item_ids, icat)
    return _mlp(gu, gi, W1, b1, W2, b2, W_out, b_out)

# --- scband reference (transcript-rebuilt; emitter-appended) ---
"""Pipeline reference for scband-neural-collaborative-filtering-41094247088432 (READ-ONLY COPY).

The authoritative reference and input builder live on the scoring server;
editing this copy changes nothing except your own understanding.
"""

import jax, jax.numpy as jnp
import numpy as np

N_USERS = 100000
N_ITEMS = 100000
EMB = 64
BATCH = 16384
H1 = 128
H2 = 64

def setup_inputs(seed: int = 0) -> dict:
    key = jax.random.key(seed)
    ks = jax.random.split(key, 12)
    user_ids = jax.random.randint(ks[0], (BATCH,), 0, N_USERS, dtype=jnp.int64 if jax.config.jax_enable_x64 else jnp.int32)
    item_ids = jax.random.randint(ks[1], (BATCH,), 0, N_ITEMS, dtype=jnp.int64 if jax.config.jax_enable_x64 else jnp.int32)
    user_emb_mf = jax.random.normal(ks[2], (N_USERS, EMB), dtype=jnp.float32) * 0.01
    item_emb_mf = jax.random.normal(ks[3], (N_ITEMS, EMB), dtype=jnp.float32) * 0.01
    user_emb_mlp = jax.random.normal(ks[4], (N_USERS, EMB), dtype=jnp.float32) * 0.01
    item_emb_mlp = jax.random.normal(ks[5], (N_ITEMS, EMB), dtype=jnp.float32) * 0.01
    # MLP: Linear(128->128), Linear(128->64); fc_out: Linear(128->1)
    W1 = jax.random.normal(ks[6], (2 * EMB, H1), dtype=jnp.float32) * (1.0 / np.sqrt(2 * EMB))
    b1 = jnp.zeros((H1,), dtype=jnp.float32)
    W2 = jax.random.normal(ks[7], (H1, H2), dtype=jnp.float32) * (1.0 / np.sqrt(H1))
    b2 = jnp.zeros((H2,), dtype=jnp.float32)
    W_out = jax.random.normal(ks[8], (EMB + H2, 1), dtype=jnp.float32) * (1.0 / np.sqrt(EMB + H2))
    b_out = jnp.zeros((1,), dtype=jnp.float32)
    return {
        "user_ids": user_ids, "item_ids": item_ids,
        "user_emb_mf": user_emb_mf, "item_emb_mf": item_emb_mf,
        "user_emb_mlp": user_emb_mlp, "item_emb_mlp": item_emb_mlp,
        "W1": W1, "b1": b1, "W2": W2, "b2": b2,
        "W_out": W_out, "b_out": b_out,
    }

def reference(user_ids, item_ids, user_emb_mf, item_emb_mf, user_emb_mlp, item_emb_mlp, W1, b1, W2, b2, W_out, b_out):
    # GMF branch
    u_mf = jnp.take(user_emb_mf, user_ids, axis=0)
    i_mf = jnp.take(item_emb_mf, item_ids, axis=0)
    mf_output = u_mf * i_mf
    # MLP branch (dropout is identity at inference)
    u_mlp = jnp.take(user_emb_mlp, user_ids, axis=0)
    i_mlp = jnp.take(item_emb_mlp, item_ids, axis=0)
    h = jnp.concatenate([u_mlp, i_mlp], axis=-1)
    h = jax.nn.relu(h @ W1 + b1)
    h = jax.nn.relu(h @ W2 + b2)
    combined = jnp.concatenate([mf_output, h], axis=-1)
    out = (combined @ W_out + b_out).squeeze(-1)
    return out

if __name__ == "__main__":
    import jax
    _d = setup_inputs()
    print(jax.jit(kernel)(*tuple(_d.values())))

</pallas_src>

<mosaic_0001>
#map = affine_map<(d0, d1) -> (0)>
#map1 = affine_map<(d0, d1) -> (0, 0)>
module attributes {stable_mosaic.version = 14 : i64} {
  func.func @_sc_gather_body(%arg0: i32, %arg1: i32, %arg2: memref<16384xi32, #tpu.memory_space<hbm>>, %arg3: memref<100000x128xf32, #tpu.memory_space<hbm>>, %arg4: memref<16384x128xf32, #tpu.memory_space<hbm>>, %arg5: memref<256xi32, #tpu.memory_space<vmem>>, %arg6: memref<256xi32, #tpu.memory_space<vmem>>, %arg7: memref<256x128xf32, #tpu.memory_space<vmem>>, %arg8: memref<256x128xf32, #tpu.memory_space<vmem>>, %arg9: memref<!tpu.dma_semaphore, #tpu.memory_space<semaphore_mem>>, %arg10: memref<!tpu.dma_semaphore, #tpu.memory_space<semaphore_mem>>, %arg11: memref<!tpu.dma_semaphore, #tpu.memory_space<semaphore_mem>>) attributes {dimension_semantics = [#tpu.dimension_semantics<core_parallel>, #tpu.dimension_semantics<subcore_parallel>], iteration_bounds = array<i64: 2, 16>, scalar_prefetch = 0 : i64, scratch_operands = 7 : i64, tpu.core_type = #tpu.core_type<sc_vector_subcore>, window_params = [{transform_indices = #map}, {transform_indices = #map1}, {transform_indices = #map1}]} {
    %mul3A = arith.constant 2 : i32
    %mul3A_0 = arith.muli %arg1, %mul3A : i32
    %add3A = arith.addi %mul3A_0, %arg0 : i32
    %mul3A_1 = arith.constant 512 : i32
    %mul3A_2 = arith.muli %add3A, %mul3A_1 : i32
    "tpu.region"() ({
      %run_scoped3A = tpu.sem_alloc : memref<!tpu.dma_semaphore, #tpu.memory_space<semaphore_mem>>
      %dma_start3A_33 = tpu.memref_slice %arg2[%mul3A_2] : memref<16384xi32, #tpu.memory_space<hbm>> -> memref<256xi32, #tpu.memory_space<hbm>>
      %dma_start3A_34 = tpu.memref_slice %arg2[%mul3A_2] : memref<16384xi32, #tpu.memory_space<hbm>> -> memref<256xi32, #tpu.memory_space<hbm>>
      tpu.enqueue_dma source(%dma_start3A_34 : memref<256xi32, #tpu.memory_space<hbm>>) target(%arg5 : memref<256xi32, #tpu.memory_space<vmem>>) target_semaphore(%run_scoped3A : memref<!tpu.dma_semaphore, #tpu.memory_space<semaphore_mem>>)
      %dma_wait3A_35 = tpu.memref_slice %arg2[%mul3A_2] : memref<16384xi32, #tpu.memory_space<hbm>> -> memref<256xi32, #tpu.memory_space<hbm>>
      %dma_wait3A_36 = tpu.memref_slice %arg2[%mul3A_2] : memref<16384xi32, #tpu.memory_space<hbm>> -> memref<256xi32, #tpu.memory_space<hbm>>
      tpu.wait_dma2 semaphore(%run_scoped3A : memref<!tpu.dma_semaphore, #tpu.memory_space<semaphore_mem>>) src(%dma_wait3A_36 : memref<256xi32, #tpu.memory_space<hbm>>) dst(%arg5 : memref<256xi32, #tpu.memory_space<vmem>>)
      tpu.yield
    }) : () -> ()
    %add3A_3 = arith.constant 256 : i32
    %add3A_4 = arith.addi %mul3A_2, %add3A_3 : i32
    "tpu.region"() ({
      %run_scoped3A = tpu.sem_alloc : memref<!tpu.dma_semaphore, #tpu.memory_space<semaphore_mem>>
      %dma_start3A_33 = tpu.memref_slice %arg2[%add3A_4] : memref<16384xi32, #tpu.memory_space<hbm>> -> memref<256xi32, #tpu.memory_space<hbm>>
      %dma_start3A_34 = tpu.memref_slice %arg2[%add3A_4] : memref<16384xi32, #tpu.memory_space<hbm>> -> memref<256xi32, #tpu.memory_space<hbm>>
      tpu.enqueue_dma source(%dma_start3A_34 : memref<256xi32, #tpu.memory_space<hbm>>) target(%arg6 : memref<256xi32, #tpu.memory_space<vmem>>) target_semaphore(%run_scoped3A : memref<!tpu.dma_semaphore, #tpu.memory_space<semaphore_mem>>)
      %dma_wait3A_35 = tpu.memref_slice %arg2[%add3A_4] : memref<16384xi32, #tpu.memory_space<hbm>> -> memref<256xi32, #tpu.memory_space<hbm>>
      %dma_wait3A_36 = tpu.memref_slice %arg2[%add3A_4] : memref<16384xi32, #tpu.memory_space<hbm>> -> memref<256xi32, #tpu.memory_space<hbm>>
      tpu.wait_dma2 semaphore(%run_scoped3A : memref<!tpu.dma_semaphore, #tpu.memory_space<semaphore_mem>>) src(%dma_wait3A_36 : memref<256xi32, #tpu.memory_space<hbm>>) dst(%arg6 : memref<256xi32, #tpu.memory_space<vmem>>)
      tpu.yield
    }) : () -> ()
    %dma_start3A = arith.constant 0 : i32
    %dma_start3A_5 = arith.constant 0 : i32
    %dma_start3A_6 = tpu.memref_slice %arg3[%dma_start3A, %dma_start3A_5] : memref<100000x128xf32, #tpu.memory_space<hbm>> -> memref<100000x128xf32, #tpu.memory_space<hbm>>
    tpu.enqueue_indirect_dma source(%dma_start3A_6 : memref<100000x128xf32, #tpu.memory_space<hbm>>) target(%arg7 : memref<256x128xf32, #tpu.memory_space<vmem>>) offsets(%arg5 : memref<256xi32, #tpu.memory_space<vmem>>) semaphore(%arg9 : memref<!tpu.dma_semaphore, #tpu.memory_space<semaphore_mem>>)
    %dma_wait3A = arith.constant 0 : i32
    %dma_wait3A_7 = arith.constant 0 : i32
    %dma_wait3A_8 = tpu.memref_slice %arg3[%dma_wait3A, %dma_wait3A_7] : memref<100000x128xf32, #tpu.memory_space<hbm>> -> memref<100000x128xf32, #tpu.memory_space<hbm>>
    tpu.wait_indirect_dma semaphore(%arg9 : memref<!tpu.dma_semaphore, #tpu.memory_space<semaphore_mem>>) src(%dma_wait3A_8 : memref<100000x128xf32, #tpu.memory_space<hbm>>) dst(%arg7 : memref<256x128xf32, #tpu.memory_space<vmem>>)
    %dma_start3A_9 = arith.constant 0 : i32
    %dma_start3A_10 = tpu.memref_slice %arg4[%mul3A_2, %dma_start3A_9] : memref<16384x128xf32, #tpu.memory_space<hbm>> -> memref<256x128xf32, #tpu.memory_space<hbm>>
    %dma_start3A_11 = arith.constant 0 : i32
    %dma_start3A_12 = tpu.memref_slice %arg4[%mul3A_2, %dma_start3A_11] : memref<16384x128xf32, #tpu.memory_space<hbm>> -> memref<256x128xf32, #tpu.memory_space<hbm>>
    tpu.enqueue_dma source(%arg7 : memref<256x128xf32, #tpu.memory_space<vmem>>) target(%dma_start3A_12 : memref<256x128xf32, #tpu.memory_space<hbm>>) target_semaphore(%arg10 : memref<!tpu.dma_semaphore, #tpu.memory_space<semaphore_mem>>)
    %dma_start3A_13 = arith.constant 0 : i32
    %dma_start3A_14 = arith.constant 0 : i32
    %dma_start3A_15 = tpu.memref_slice %arg3[%dma_start3A_13, %dma_start3A_14] : memref<100000x128xf32, #tpu.memory_space<hbm>> -> memref<100000x128xf32, #tpu.memory_space<hbm>>
    tpu.enqueue_indirect_dma source(%dma_start3A_15 : memref<100000x128xf32, #tpu.memory_space<hbm>>) target(%arg8 : memref<256x128xf32, #tpu.memory_space<vmem>>) offsets(%arg6 : memref<256xi32, #tpu.memory_space<vmem>>) semaphore(%arg9 : memref<!tpu.dma_semaphore, #tpu.memory_space<semaphore_mem>>)
    %dma_wait3A_16 = arith.constant 0 : i32
    %dma_wait3A_17 = arith.constant 0 : i32
    %dma_wait3A_18 = tpu.memref_slice %arg3[%dma_wait3A_16, %dma_wait3A_17] : memref<100000x128xf32, #tpu.memory_space<hbm>> -> memref<100000x128xf32, #tpu.memory_space<hbm>>
    tpu.wait_indirect_dma semaphore(%arg9 : memref<!tpu.dma_semaphore, #tpu.memory_space<semaphore_mem>>) src(%dma_wait3A_18 : memref<100000x128xf32, #tpu.memory_space<hbm>>) dst(%arg8 : memref<256x128xf32, #tpu.memory_space<vmem>>)
    %add3A_19 = arith.constant 256 : i32
    %add3A_20 = arith.addi %mul3A_2, %add3A_19 : i32
    %dma_start3A_21 = arith.constant 0 : i32
    %dma_start3A_22 = tpu.memref_slice %arg4[%add3A_20, %dma_start3A_21] : memref<16384x128xf32, #tpu.memory_space<hbm>> -> memref<256x128xf32, #tpu.memory_space<hbm>>
    %dma_start3A_23 = arith.constant 0 : i32
    %dma_start3A_24 = tpu.memref_slice %arg4[%add3A_20, %dma_start3A_23] : memref<16384x128xf32, #tpu.memory_space<hbm>> -> memref<256x128xf32, #tpu.memory_space<hbm>>
    tpu.enqueue_dma source(%arg8 : memref<256x128xf32, #tpu.memory_space<vmem>>) target(%dma_start3A_24 : memref<256x128xf32, #tpu.memory_space<hbm>>) target_semaphore(%arg11 : memref<!tpu.dma_semaphore, #tpu.memory_space<semaphore_mem>>)
    %dma_wait3A_25 = arith.constant 0 : i32
    %dma_wait3A_26 = tpu.memref_slice %arg4[%mul3A_2, %dma_wait3A_25] : memref<16384x128xf32, #tpu.memory_space<hbm>> -> memref<256x128xf32, #tpu.memory_space<hbm>>
    %dma_wait3A_27 = arith.constant 0 : i32
    %dma_wait3A_28 = tpu.memref_slice %arg4[%mul3A_2, %dma_wait3A_27] : memref<16384x128xf32, #tpu.memory_space<hbm>> -> memref<256x128xf32, #tpu.memory_space<hbm>>
    tpu.wait_dma2 semaphore(%arg10 : memref<!tpu.dma_semaphore, #tpu.memory_space<semaphore_mem>>) src(%arg7 : memref<256x128xf32, #tpu.memory_space<vmem>>) dst(%dma_wait3A_28 : memref<256x128xf32, #tpu.memory_space<hbm>>)
    %dma_wait3A_29 = arith.constant 0 : i32
    %dma_wait3A_30 = tpu.memref_slice %arg4[%add3A_20, %dma_wait3A_29] : memref<16384x128xf32, #tpu.memory_space<hbm>> -> memref<256x128xf32, #tpu.memory_space<hbm>>
    %dma_wait3A_31 = arith.constant 0 : i32
    %dma_wait3A_32 = tpu.memref_slice %arg4[%add3A_20, %dma_wait3A_31] : memref<16384x128xf32, #tpu.memory_space<hbm>> -> memref<256x128xf32, #tpu.memory_space<hbm>>
    tpu.wait_dma2 semaphore(%arg11 : memref<!tpu.dma_semaphore, #tpu.memory_space<semaphore_mem>>) src(%arg8 : memref<256x128xf32, #tpu.memory_space<vmem>>) dst(%dma_wait3A_32 : memref<256x128xf32, #tpu.memory_space<hbm>>)
    return
  }
}

#map = affine_map<(d0, d1) -> (0)>
#map1 = affine_map<(d0, d1) -> (0, 0)>
module attributes {stable_mosaic.version = 14 : i64} {
  func.func @_sc_gather_body(%arg0: i32, %arg1: i32, %arg2: memref<16384xi32, #tpu.memory_space<hbm>>, %arg3: memref<100000x128xf32, #tpu.memory_space<hbm>>, %arg4: memref<16384x128xf32, #tpu.memory_space<hbm>>, %arg5: memref<256xi32, #tpu.memory_space<vmem>>, %arg6: memref<256xi32, #tpu.memory_space<vmem>>, %arg7: memref<256x128xf32, #tpu.memory_space<vmem>>, %arg8: memref<256x128xf32, #tpu.memory_space<vmem>>, %arg9: memref<!tpu.dma_semaphore, #tpu.memory_space<semaphore_mem>>, %arg10: memref<!tpu.dma_semaphore, #tpu.memory_space<semaphore_mem>>, %arg11: memref<!tpu.dma_semaphore, #tpu.memory_space<semaphore_mem>>) attributes {dimension_semantics = [#tpu.dimension_semantics<core_parallel>, #tpu.dimension_semantics<subcore_parallel>], iteration_bounds = array<i64: 2, 16>, scalar_prefetch = 0 : i64, scratch_operands = 7 : i64, tpu.core_type = #tpu.core_type<sc_vector_subcore>, window_params = [{transform_indices = #map}, {transform_indices = #map1}, {transform_indices = #map1}]} {
    %mul3A = arith.constant 2 : i32
    %mul3A_0 = arith.muli %arg1, %mul3A : i32
    %add3A = arith.addi %mul3A_0, %arg0 : i32
    %mul3A_1 = arith.constant 512 : i32
    %mul3A_2 = arith.muli %add3A, %mul3A_1 : i32
    "tpu.region"() ({
      %run_scoped3A = tpu.sem_alloc : memref<!tpu.dma_semaphore, #tpu.memory_space<semaphore_mem>>
      %dma_start3A_33 = tpu.memref_slice %arg2[%mul3A_2] : memref<16384xi32, #tpu.memory_space<hbm>> -> memref<256xi32, #tpu.memory_space<hbm>>
      %dma_start3A_34 = tpu.memref_slice %arg2[%mul3A_2] : memref<16384xi32, #tpu.memory_space<hbm>> -> memref<256xi32, #tpu.memory_space<hbm>>
      tpu.enqueue_dma source(%dma_start3A_34 : memref<256xi32, #tpu.memory_space<hbm>>) target(%arg5 : memref<256xi32, #tpu.memory_space<vmem>>) target_semaphore(%run_scoped3A : memref<!tpu.dma_semaphore, #tpu.memory_space<semaphore_mem>>)
      %dma_wait3A_35 = tpu.memref_slice %arg2[%mul3A_2] : memref<16384xi32, #tpu.memory_space<hbm>> -> memref<256xi32, #tpu.memory_space<hbm>>
      %dma_wait3A_36 = tpu.memref_slice %arg2[%mul3A_2] : memref<16384xi32, #tpu.memory_space<hbm>> -> memref<256xi32, #tpu.memory_space<hbm>>
      tpu.wait_dma2 semaphore(%run_scoped3A : memref<!tpu.dma_semaphore, #tpu.memory_space<semaphore_mem>>) src(%dma_wait3A_36 : memref<256xi32, #tpu.memory_space<hbm>>) dst(%arg5 : memref<256xi32, #tpu.memory_space<vmem>>)
      tpu.yield
    }) : () -> ()
    %add3A_3 = arith.constant 256 : i32
    %add3A_4 = arith.addi %mul3A_2, %add3A_3 : i32
    "tpu.region"() ({
      %run_scoped3A = tpu.sem_alloc : memref<!tpu.dma_semaphore, #tpu.memory_space<semaphore_mem>>
      %dma_start3A_33 = tpu.memref_slice %arg2[%add3A_4] : memref<16384xi32, #tpu.memory_space<hbm>> -> memref<256xi32, #tpu.memory_space<hbm>>
      %dma_start3A_34 = tpu.memref_slice %arg2[%add3A_4] : memref<16384xi32, #tpu.memory_space<hbm>> -> memref<256xi32, #tpu.memory_space<hbm>>
      tpu.enqueue_dma source(%dma_start3A_34 : memref<256xi32, #tpu.memory_space<hbm>>) target(%arg6 : memref<256xi32, #tpu.memory_space<vmem>>) target_semaphore(%run_scoped3A : memref<!tpu.dma_semaphore, #tpu.memory_space<semaphore_mem>>)
      %dma_wait3A_35 = tpu.memref_slice %arg2[%add3A_4] : memref<16384xi32, #tpu.memory_space<hbm>> -> memref<256xi32, #tpu.memory_space<hbm>>
      %dma_wait3A_36 = tpu.memref_slice %arg2[%add3A_4] : memref<16384xi32, #tpu.memory_space<hbm>> -> memref<256xi32, #tpu.memory_space<hbm>>
      tpu.wait_dma2 semaphore(%run_scoped3A : memref<!tpu.dma_semaphore, #tpu.memory_space<semaphore_mem>>) src(%dma_wait3A_36 : memref<256xi32, #tpu.memory_space<hbm>>) dst(%arg6 : memref<256xi32, #tpu.memory_space<vmem>>)
      tpu.yield
    }) : () -> ()
    %dma_start3A = arith.constant 0 : i32
    %dma_start3A_5 = arith.constant 0 : i32
    %dma_start3A_6 = tpu.memref_slice %arg3[%dma_start3A, %dma_start3A_5] : memref<100000x128xf32, #tpu.memory_space<hbm>> -> memref<100000x128xf32, #tpu.memory_space<hbm>>
    tpu.enqueue_indirect_dma source(%dma_start3A_6 : memref<100000x128xf32, #tpu.memory_space<hbm>>) target(%arg7 : memref<256x128xf32, #tpu.memory_space<vmem>>) offsets(%arg5 : memref<256xi32, #tpu.memory_space<vmem>>) semaphore(%arg9 : memref<!tpu.dma_semaphore, #tpu.memory_space<semaphore_mem>>)
    %dma_wait3A = arith.constant 0 : i32
    %dma_wait3A_7 = arith.constant 0 : i32
    %dma_wait3A_8 = tpu.memref_slice %arg3[%dma_wait3A, %dma_wait3A_7] : memref<100000x128xf32, #tpu.memory_space<hbm>> -> memref<100000x128xf32, #tpu.memory_space<hbm>>
    tpu.wait_indirect_dma semaphore(%arg9 : memref<!tpu.dma_semaphore, #tpu.memory_space<semaphore_mem>>) src(%dma_wait3A_8 : memref<100000x128xf32, #tpu.memory_space<hbm>>) dst(%arg7 : memref<256x128xf32, #tpu.memory_space<vmem>>)
    %dma_start3A_9 = arith.constant 0 : i32
    %dma_start3A_10 = tpu.memref_slice %arg4[%mul3A_2, %dma_start3A_9] : memref<16384x128xf32, #tpu.memory_space<hbm>> -> memref<256x128xf32, #tpu.memory_space<hbm>>
    %dma_start3A_11 = arith.constant 0 : i32
    %dma_start3A_12 = tpu.memref_slice %arg4[%mul3A_2, %dma_start3A_11] : memref<16384x128xf32, #tpu.memory_space<hbm>> -> memref<256x128xf32, #tpu.memory_space<hbm>>
    tpu.enqueue_dma source(%arg7 : memref<256x128xf32, #tpu.memory_space<vmem>>) target(%dma_start3A_12 : memref<256x128xf32, #tpu.memory_space<hbm>>) target_semaphore(%arg10 : memref<!tpu.dma_semaphore, #tpu.memory_space<semaphore_mem>>)
    %dma_start3A_13 = arith.constant 0 : i32
    %dma_start3A_14 = arith.constant 0 : i32
    %dma_start3A_15 = tpu.memref_slice %arg3[%dma_start3A_13, %dma_start3A_14] : memref<100000x128xf32, #tpu.memory_space<hbm>> -> memref<100000x128xf32, #tpu.memory_space<hbm>>
    tpu.enqueue_indirect_dma source(%dma_start3A_15 : memref<100000x128xf32, #tpu.memory_space<hbm>>) target(%arg8 : memref<256x128xf32, #tpu.memory_space<vmem>>) offsets(%arg6 : memref<256xi32, #tpu.memory_space<vmem>>) semaphore(%arg9 : memref<!tpu.dma_semaphore, #tpu.memory_space<semaphore_mem>>)
    %dma_wait3A_16 = arith.constant 0 : i32
    %dma_wait3A_17 = arith.constant 0 : i32
    %dma_wait3A_18 = tpu.memref_slice %arg3[%dma_wait3A_16, %dma_wait3A_17] : memref<100000x128xf32, #tpu.memory_space<hbm>> -> memref<100000x128xf32, #tpu.memory_space<hbm>>
    tpu.wait_indirect_dma semaphore(%arg9 : memref<!tpu.dma_semaphore, #tpu.memory_space<semaphore_mem>>) src(%dma_wait3A_18 : memref<100000x128xf32, #tpu.memory_space<hbm>>) dst(%arg8 : memref<256x128xf32, #tpu.memory_space<vmem>>)
    %add3A_19 = arith.constant 256 : i32
    %add3A_20 = arith.addi %mul3A_2, %add3A_19 : i32
    %dma_start3A_21 = arith.constant 0 : i32
    %dma_start3A_22 = tpu.memref_slice %arg4[%add3A_20, %dma_start3A_21] : memref<16384x128xf32, #tpu.memory_space<hbm>> -> memref<256x128xf32, #tpu.memory_space<hbm>>
    %dma_start3A_23 = arith.constant 0 : i32
    %dma_start3A_24 = tpu.memref_slice %arg4[%add3A_20, %dma_start3A_23] : memref<16384x128xf32, #tpu.memory_space<hbm>> -> memref<256x128xf32, #tpu.memory_space<hbm>>
    tpu.enqueue_dma source(%arg8 : memref<256x128xf32, #tpu.memory_space<vmem>>) target(%dma_start3A_24 : memref<256x128xf32, #tpu.memory_space<hbm>>) target_semaphore(%arg11 : memref<!tpu.dma_semaphore, #tpu.memory_space<semaphore_mem>>)
    %dma_wait3A_25 = arith.constant 0 : i32
    %dma_wait3A_26 = tpu.memref_slice %arg4[%mul3A_2, %dma_wait3A_25] : memref<16384x128xf32, #tpu.memory_space<hbm>> -> memref<256x128xf32, #tpu.memory_space<hbm>>
    %dma_wait3A_27 = arith.constant 0 : i32
    %dma_wait3A_28 = tpu.memref_slice %arg4[%mul3A_2, %dma_wait3A_27] : memref<16384x128xf32, #tpu.memory_space<hbm>> -> memref<256x128xf32, #tpu.memory_space<hbm>>
    tpu.wait_dma2 semaphore(%arg10 : memref<!tpu.dma_semaphore, #tpu.memory_space<semaphore_mem>>) src(%arg7 : memref<256x128xf32, #tpu.memory_space<vmem>>) dst(%dma_wait3A_28 : memref<256x128xf32, #tpu.memory_space<hbm>>)
    %dma_wait3A_29 = arith.constant 0 : i32
    %dma_wait3A_30 = tpu.memref_slice %arg4[%add3A_20, %dma_wait3A_29] : memref<16384x128xf32, #tpu.memory_space<hbm>> -> memref<256x128xf32, #tpu.memory_space<hbm>>
    %dma_wait3A_31 = arith.constant 0 : i32
    %dma_wait3A_32 = tpu.memref_slice %arg4[%add3A_20, %dma_wait3A_31] : memref<16384x128xf32, #tpu.memory_space<hbm>> -> memref<256x128xf32, #tpu.memory_space<hbm>>
    tpu.wait_dma2 semaphore(%arg11 : memref<!tpu.dma_semaphore, #tpu.memory_space<semaphore_mem>>) src(%arg8 : memref<256x128xf32, #tpu.memory_space<vmem>>) dst(%dma_wait3A_32 : memref<256x128xf32, #tpu.memory_space<hbm>>)
    return
  }
}

module attributes {stable_mosaic.version = 14 : i64} {
  func.func @_mlp_body(%arg0: i32, %arg1: memref<4096x128xf32, #tpu.memory_space<vmem>>, %arg2: memref<4096x128xf32, #tpu.memory_space<vmem>>, %arg3: memref<128x128xf32, #tpu.memory_space<vmem>>, %arg4: memref<128xf32, #tpu.memory_space<vmem>>, %arg5: memref<128x64xf32, #tpu.memory_space<vmem>>, %arg6: memref<64xf32, #tpu.memory_space<vmem>>, %arg7: memref<128x1xf32, #tpu.memory_space<vmem>>, %arg8: memref<1xf32, #tpu.memory_space<vmem>>, %arg9: memref<4096xf32, #tpu.memory_space<vmem>>) attributes {dimension_semantics = [#tpu.dimension_semantics<arbitrary>], iteration_bounds = array<i64: 4>, scalar_prefetch = 0 : i64, scratch_operands = 0 : i64, tpu.core_type = #tpu.core_type<tc>, window_params = [{transform_indices = @transform_0, window_bounds = array<i64: 4096, 128>}, {transform_indices = @transform_1, window_bounds = array<i64: 4096, 128>}, {pipeline_mode = #tpu.pipeline_mode<synchronous>, transform_indices = @transform_2, window_bounds = array<i64: 128, 128>}, {pipeline_mode = #tpu.pipeline_mode<synchronous>, transform_indices = @transform_3, window_bounds = array<i64: 128>}, {pipeline_mode = #tpu.pipeline_mode<synchronous>, transform_indices = @transform_4, window_bounds = array<i64: 128, 64>}, {pipeline_mode = #tpu.pipeline_mode<synchronous>, transform_indices = @transform_5, window_bounds = array<i64: 64>}, {pipeline_mode = #tpu.pipeline_mode<synchronous>, transform_indices = @transform_6, window_bounds = array<i64: 128, 1>}, {pipeline_mode = #tpu.pipeline_mode<synchronous>, transform_indices = @transform_7, window_bounds = array<i64: 1>}, {transform_indices = @transform_8, window_bounds = array<i64: 4096>}]} {
    %get3A = arith.constant 0 : index
    %get3A_0 = arith.constant 64 : index
    %get3A_1 = vector.load %arg1[%get3A, %get3A_0] : memref<4096x128xf32, #tpu.memory_space<vmem>>, vector<4096x64xf32>
    %get3A_2 = arith.constant 0 : index
    %get3A_3 = arith.constant 0 : index
    %get3A_4 = vector.load %arg3[%get3A_2, %get3A_3] : memref<128x128xf32, #tpu.memory_space<vmem>>, vector<64x128xf32>
    %dot_general3A = arith.constant dense<0.000000e+00> : vector<4096x128xf32>
    %dot_general3A_5 = tpu.matmul %get3A_1, %get3A_4, %dot_general3A {dimension_numbers = #tpu.dot_dimension_numbers<[1], [0], [0], [1], [0, 0, 1, 1], [], []>, transpose_lhs_hint = false} : vector<4096x64xf32>, vector<64x128xf32>, vector<4096x128xf32> -> vector<4096x128xf32>
    %get3A_6 = arith.constant 0 : index
    %get3A_7 = arith.constant 64 : index
    %get3A_8 = vector.load %arg2[%get3A_6, %get3A_7] : memref<4096x128xf32, #tpu.memory_space<vmem>>, vector<4096x64xf32>
    %get3A_9 = arith.constant 64 : index
    %get3A_10 = arith.constant 0 : index
    %get3A_11 = vector.load %arg3[%get3A_9, %get3A_10] : memref<128x128xf32, #tpu.memory_space<vmem>>, vector<64x128xf32>
    %dot_general3A_12 = arith.constant dense<0.000000e+00> : vector<4096x128xf32>
    %dot_general3A_13 = tpu.matmul %get3A_8, %get3A_11, %dot_general3A_12 {dimension_numbers = #tpu.dot_dimension_numbers<[1], [0], [0], [1], [0, 0, 1, 1], [], []>, transpose_lhs_hint = false} : vector<4096x64xf32>, vector<64x128xf32>, vector<4096x128xf32> -> vector<4096x128xf32>
    %add3A = arith.addf %dot_general3A_5, %dot_general3A_13 : vector<4096x128xf32>
    %get3A_14 = arith.constant 0 : index
    %get3A_15 = vector.load %arg4[%get3A_14] : memref<128xf32, #tpu.memory_space<vmem>>, vector<128xf32>
    %broadcast_in_dim3A = vector.shape_cast %get3A_15 : vector<128xf32> to vector<1x128xf32>
    %add3A_16 = vector.broadcast %broadcast_in_dim3A : vector<1x128xf32> to vector<4096x128xf32>
    %add3A_17 = arith.addf %add3A, %add3A_16 : vector<4096x128xf32>
    %max3A = arith.constant 0.000000e+00 : f32
    %max3A_18 = vector.broadcast %max3A : f32 to vector<4096x128xf32>
    %max3A_19 = arith.maximumf %add3A_17, %max3A_18 : vector<4096x128xf32>
    %get3A_20 = arith.constant 0 : index
    %get3A_21 = arith.constant 0 : index
    %get3A_22 = vector.load %arg5[%get3A_20, %get3A_21] : memref<128x64xf32, #tpu.memory_space<vmem>>, vector<128x64xf32>
    %dot_general3A_23 = arith.constant dense<0.000000e+00> : vector<4096x64xf32>
    %dot_general3A_24 = tpu.matmul %max3A_19, %get3A_22, %dot_general3A_23 {dimension_numbers = #tpu.dot_dimension_numbers<[1], [0], [0], [1], [0, 0, 1, 1], [], []>, transpose_lhs_hint = false} : vector<4096x128xf32>, vector<128x64xf32>, vector<4096x64xf32> -> vector<4096x64xf32>
    %get3A_25 = arith.constant 0 : index
    %get3A_26 = vector.load %arg6[%get3A_25] : memref<64xf32, #tpu.memory_space<vmem>>, vector<64xf32>
    %broadcast_in_dim3A_27 = vector.shape_cast %get3A_26 : vector<64xf32> to vector<1x64xf32>
    %add3A_28 = vector.broadcast %broadcast_in_dim3A_27 : vector<1x64xf32> to vector<4096x64xf32>
    %add3A_29 = arith.addf %dot_general3A_24, %add3A_28 : vector<4096x64xf32>
    %max3A_30 = arith.constant 0.000000e+00 : f32
    %max3A_31 = vector.broadcast %max3A_30 : f32 to vector<4096x64xf32>
    %max3A_32 = arith.maximumf %add3A_29, %max3A_31 : vector<4096x64xf32>
    %get3A_33 = arith.constant 0 : index
    %get3A_34 = arith.constant 0 : index
    %get3A_35 = vector.load %arg1[%get3A_33, %get3A_34] : memref<4096x128xf32, #tpu.memory_space<vmem>>, vector<4096x64xf32>
    %get3A_36 = arith.constant 0 : index
    %get3A_37 = arith.constant 0 : index
    %get3A_38 = vector.load %arg2[%get3A_36, %get3A_37] : memref<4096x128xf32, #tpu.memory_space<vmem>>, vector<4096x64xf32>
    %mul3A = arith.mulf %get3A_35, %get3A_38 : vector<4096x64xf32>
    %get3A_39 = arith.constant 0 : index
    %get3A_40 = arith.constant 0 : index
    %get3A_41 = vector.load %arg7[%get3A_39, %get3A_40] : memref<128x1xf32, #tpu.memory_space<vmem>>, vector<64x1xf32>
    %dot_general3A_42 = arith.constant dense<0.000000e+00> : vector<4096x1xf32>
    %dot_general3A_43 = tpu.matmul %mul3A, %get3A_41, %dot_general3A_42 {dimension_numbers = #tpu.dot_dimension_numbers<[1], [0], [0], [1], [0, 0, 1, 1], [], []>, transpose_lhs_hint = false} : vector<4096x64xf32>, vector<64x1xf32>, vector<4096x1xf32> -> vector<4096x1xf32>
    %get3A_44 = arith.constant 64 : index
    %get3A_45 = arith.constant 0 : index
    %get3A_46 = vector.load %arg7[%get3A_44, %get3A_45] : memref<128x1xf32, #tpu.memory_space<vmem>>, vector<64x1xf32>
    %dot_general3A_47 = arith.constant dense<0.000000e+00> : vector<4096x1xf32>
    %dot_general3A_48 = tpu.matmul %max3A_32, %get3A_46, %dot_general3A_47 {dimension_numbers = #tpu.dot_dimension_numbers<[1], [0], [0], [1], [0, 0, 1, 1], [], []>, transpose_lhs_hint = false} : vector<4096x64xf32>, vector<64x1xf32>, vector<4096x1xf32> -> vector<4096x1xf32>
    %add3A_49 = arith.addf %dot_general3A_43, %dot_general3A_48 : vector<4096x1xf32>
    %squeeze3A = vector.shape_cast %add3A_49 : vector<4096x1xf32> to vector<4096xf32>
    %get3A_50 = arith.constant 0 : index
    %get3A_51 = vector.load %arg8[%get3A_50] : memref<1xf32, #tpu.memory_space<vmem>>, vector<1xf32>
    %get3A_52 = vector.extract %get3A_51[0] : f32 from vector<1xf32>
    %add3A_53 = vector.broadcast %get3A_52 : f32 to vector<4096xf32>
    %add3A_54 = arith.addf %squeeze3A, %add3A_53 : vector<4096xf32>
    %swap3A = arith.constant 0 : index
    %swap3A_55 = vector.load %arg9[%swap3A] : memref<4096xf32, #tpu.memory_space<vmem>>, vector<4096xf32>
    tpu.vector_store %arg9[%swap3A], %add3A_54 {strides = array<i32>} : memref<4096xf32, #tpu.memory_space<vmem>>, vector<4096xf32>,
    return
  }
  func.func @transform_0(%arg0: i32) -> (i32, i32) {
    %c0_i32 = arith.constant 0 : i32
    %c0_i32_0 = arith.constant 0 : i32
    return %arg0, %c0_i32 : i32, i32
  }
  func.func @transform_1(%arg0: i32) -> (i32, i32) {
    %c0_i32 = arith.constant 0 : i32
    %c0_i32_0 = arith.constant 0 : i32
    return %arg0, %c0_i32 : i32, i32
  }
  func.func @transform_2(%arg0: i32) -> (i32, i32) {
    %c0_i32 = arith.constant 0 : i32
    %c0_i32_0 = arith.constant 0 : i32
    %c0_i32_1 = arith.constant 0 : i32
    return %c0_i32, %c0_i32_0 : i32, i32
  }
  func.func @transform_3(%arg0: i32) -> i32 {
    %c0_i32 = arith.constant 0 : i32
    %c0_i32_0 = arith.constant 0 : i32
    return %c0_i32 : i32
  }
  func.func @transform_4(%arg0: i32) -> (i32, i32) {
    %c0_i32 = arith.constant 0 : i32
    %c0_i32_0 = arith.constant 0 : i32
    %c0_i32_1 = arith.constant 0 : i32
    return %c0_i32, %c0_i32_0 : i32, i32
  }
  func.func @transform_5(%arg0: i32) -> i32 {
    %c0_i32 = arith.constant 0 : i32
    %c0_i32_0 = arith.constant 0 : i32
    return %c0_i32 : i32
  }
  func.func @transform_6(%arg0: i32) -> (i32, i32) {
    %c0_i32 = arith.constant 0 : i32
    %c0_i32_0 = arith.constant 0 : i32
    %c0_i32_1 = arith.constant 0 : i32
    return %c0_i32, %c0_i32_0 : i32, i32
  }
  func.func @transform_7(%arg0: i32) -> i32 {
    %c0_i32 = arith.constant 0 : i32
    %c0_i32_0 = arith.constant 0 : i32
    return %c0_i32 : i32
  }
  func.func @transform_8(%arg0: i32) -> i32 {
    %c0_i32 = arith.constant 0 : i32
    return %arg0 : i32
  }
}

module attributes {stable_mosaic.version = 14 : i64} {
  func.func @_pack_body(%arg0: i32, %arg1: memref<64x8192xf32, #tpu.memory_space<vmem>>, %arg2: memref<64x8192xf32, #tpu.memory_space<vmem>>, %arg3: memref<8192x128xf32, #tpu.memory_space<vmem>>) attributes {dimension_semantics = [#tpu.dimension_semantics<arbitrary>], iteration_bounds = array<i64: 13>, scalar_prefetch = 0 : i64, scratch_operands = 0 : i64, tpu.core_type = #tpu.core_type<tc>, window_params = [{transform_indices = @transform_0, window_bounds = array<i64: 64, 8192>}, {transform_indices = @transform_1, window_bounds = array<i64: 64, 8192>}, {transform_indices = @transform_2, window_bounds = array<i64: 8192, 128>}]} {
    %iota3A = tpu.iota {dimensions = array<i32: 0>} : vector<64x64xi32>
    %iota3A_0 = tpu.iota {dimensions = array<i32: 1>} : vector<64x64xi32>
    %add3A = arith.constant 0 : i32
    %add3A_1 = vector.broadcast %add3A : i32 to vector<64x64xi32>
    %add3A_2 = arith.addi %iota3A, %add3A_1 : vector<64x64xi32>
    %eq3A = arith.cmpi eq, %add3A_2, %iota3A_0 : vector<64x64xi32>
    %convert_element_type3A = arith.extui %eq3A : vector<64x64xi1> to vector<64x64xi32>
    %convert_element_type3A_3 = arith.sitofp %convert_element_type3A : vector<64x64xi32> to vector<64x64xf32>
    %get3A = arith.constant 0 : index
    %get3A_4 = arith.constant 0 : index
    %get3A_5 = vector.load %arg1[%get3A, %get3A_4] : memref<64x8192xf32, #tpu.memory_space<vmem>>, vector<64x8192xf32>
    %dot_general3A = arith.constant dense<0.000000e+00> : vector<8192x64xf32>
    %dot_general3A_6 = tpu.matmul %get3A_5, %convert_element_type3A_3, %dot_general3A {dimension_numbers = #tpu.dot_dimension_numbers<[0], [0], [1], [1], [0, 1, 1, 1], [], []>, transpose_lhs_hint = false} : vector<64x8192xf32>, vector<64x64xf32>, vector<8192x64xf32> -> vector<8192x64xf32>
    %swap3A = arith.constant 0 : index
    %swap3A_7 = arith.constant 0 : index
    %swap3A_8 = vector.load %arg3[%swap3A, %swap3A_7] : memref<8192x128xf32, #tpu.memory_space<vmem>>, vector<8192x64xf32>
    tpu.vector_store %arg3[%swap3A, %swap3A_7], %dot_general3A_6 {strides = array<i32>} : memref<8192x128xf32, #tpu.memory_space<vmem>>, vector<8192x64xf32>,
    %get3A_9 = arith.constant 0 : index
    %get3A_10 = arith.constant 0 : index
    %get3A_11 = vector.load %arg2[%get3A_9, %get3A_10] : memref<64x8192xf32, #tpu.memory_space<vmem>>, vector<64x8192xf32>
    %dot_general3A_12 = arith.constant dense<0.000000e+00> : vector<8192x64xf32>
    %dot_general3A_13 = tpu.matmul %get3A_11, %convert_element_type3A_3, %dot_general3A_12 {dimension_numbers = #tpu.dot_dimension_numbers<[0], [0], [1], [1], [0, 1, 1, 1], [], []>, transpose_lhs_hint = false} : vector<64x8192xf32>, vector<64x64xf32>, vector<8192x64xf32> -> vector<8192x64xf32>
    %swap3A_14 = arith.constant 0 : index
    %swap3A_15 = arith.constant 64 : index
    %swap3A_16 = vector.load %arg3[%swap3A_14, %swap3A_15] : memref<8192x128xf32, #tpu.memory_space<vmem>>, vector<8192x64xf32>
    tpu.vector_store %arg3[%swap3A_14, %swap3A_15], %dot_general3A_13 {strides = array<i32>} : memref<8192x128xf32, #tpu.memory_space<vmem>>, vector<8192x64xf32>,
    return
  }
  func.func @transform_0(%arg0: i32) -> (i32, i32) {
    %c0_i32 = arith.constant 0 : i32
    %c0_i32_0 = arith.constant 0 : i32
    return %c0_i32, %arg0 : i32, i32
  }
  func.func @transform_1(%arg0: i32) -> (i32, i32) {
    %c0_i32 = arith.constant 0 : i32
    %c0_i32_0 = arith.constant 0 : i32
    return %c0_i32, %arg0 : i32, i32
  }
  func.func @transform_2(%arg0: i32) -> (i32, i32) {
    %c0_i32 = arith.constant 0 : i32
    %c0_i32_0 = arith.constant 0 : i32
    return %arg0, %c0_i32 : i32, i32
  }
}

</mosaic_0001>

<sc_bundles>
// kernel: kernel.10.cloned.1.call-start
scs
__scs_entry_jumppad:
0x0: {  	(pc) =	sbr.rel $0x88, $3  }
0x1: {  	(tag) =	ssettag $0x0;
	lr =	simm.s32 $0x1  }
0x2: {  	[smem:$0x3F95] =	sst lr;
	_ =	strace $0xD0000000  }
0x3: {  	_ = 	snop  }
0x4: {  	_ = 	snop  }
0x5: {  	_ = 	snop  }
0x6: {  	_ = 	snop  }
0x7: {  	_ = 	snop  }
__scs_overlays_trampoline_lowered:
0x8: {  	[smem:$0x3FA4] =	sst s0  }
0x9: {  	[smem:$0x3FA5] =	sst s1  }
0xa: {  	[smem:$0x3FA6] =	sst s2  }
0xb: {  	[smem:$0x3FA7] =	sst s3  }
0xc: {  	[smem:$0x3FA8] =	sst s4  }
0xd: {  	[smem:$0x3FA9] =	sst s5  }
0xe: {  	[smem:$0x3FAA] =	sst s6  }
0xf: {  	[smem:$0x3FAB] =	sst s7  }
0x10: {  	[smem:$0x3FAC] =	sst s8  }
0x11: {  	[smem:$0x3FAD] =	sst s9;
	s0 =	simm.s32 @!p0 $0x0  }
0x12: {  	s1 =	sld [smem:$0x3F93];
	s0 =	simm.s32 @p0 $0x1  }
0x13: {  	[smem:$0x3FAE] =	sst s0;
	s0 =	simm.s32 @!p1 $0x0  }
0x14: {  	s2 =	sld [smem:$0x3F92];
	s0 =	simm.s32 @p1 $0x1  }
0x15: {  	[smem:$0x3FAF] =	sst s0;
	s0 =	simm.s32 @!p2 $0x0  }
0x16: {  	s3 =	sld [smem:$0x3FDB];
	s0 =	simm.s32 @p2 $0x1  }
0x17: {  	s4 =	simm.s32 $0x1BF5;
	[smem:$0x3FB1] =	sst s0  }
0x18: {  	s0 =	sld [smem:$0x3F94];
	_ =	swait.ge [sflag:s4], $0x0  }
0x19: {  	s7 =	sld [smem:$0x3F95]  }
0x1a: {  	s8 =	sadd.s32 $0xFFFFE003, lr  }
0x1b: {  	s9 =	sadd.s32 $0xFFFFFEF7, lr;
	s5 =	simm.s32 $0xFFFFFFFF;
	p2 =	slt.u32 s8, $0xFFFFF086  }
0x1c: {  	p1 =	slt.u32 s9, $0xF7A;
	s5 =	simm.s32 @!p2 $0x0  }
0x1d: {  	s5 =	simm.s32 @p1 $0x1;
	p0 =	seq.s32 s7, s2  }
0x1e: {  	s7 =	smul.u32 @!p0 $0xF7A, s2;
	p2 =	seq.s32 @!p0 s5, $0x0  }
0x1f: {  	s9 =	smul.u32 $0xF7A, s1;
	s8 =	simm.s32 @!p0 $0x1BF5;
	p2 =	por !p2, p0  }
0x20: {  	[sflag:s8] =	ssyncset.s32 @!p0 $0xFFFFF086;
	s6 =	sadd.s32 @!p0 s3, s7;
	s7 =	simm.s32 @!p0 $0x108  }
0x21: {  	s3 =	sadd.s32 s3, s9;
	s6 =	sadd.s32 @!p0 $0x88, s6;
	s7 =	simm.s32 @p2 $0x1082  }
0x22: {  	[simem:s7], [sflag:s8] =	dma.local @!p0 [hbm:s6], $0xF7A  }
0x23: {  	s9 =	sor.u32 $0xD0000000, s2;
	s6 =	simm.s32 $0x108;
	_ =	swait.ge @!p0 [sflag:s8], $0x0  }
0x24: {  	s3 =	sadd.s32 $0x88, s3;
	s6 =	simm.s32 @!p1 $0x1082;
	[sflag:s4] =	ssyncset.s32 $0xFFFFF086  }
0x25: {  	[simem:s6], [sflag:s4] =	dma.local [hbm:s3], $0xF7A  }
0x26: {  	[smem:$0x3F95] =	sst s1;
	(tag) =	ssettag s2;
	_ =	strace s9  }
0x27: {  	s1 =	sld [smem:$0x3FA5]  }
0x28: {  	s2 =	sld [smem:$0x3FA6]  }
0x29: {  	s4 =	sld [smem:$0x3FA8]  }
0x2a: {  	p0 =	seq.s32 s5, $0x0;
	s5 =	sld [smem:$0x3FA9]  }
0x2b: {  	s6 =	sld [smem:$0x3FAA]  }
0x2c: {  	s7 =	sld [smem:$0x3FAB]  }
0x2d: {  	s3 =	simm.s32 $0x108;
	s8 =	sld [smem:$0x3FAC]  }
0x2e: {  	s3 =	simm.s32 @!p0 $0x1082;
	s9 =	sld [smem:$0x3FAD]  }
0x2f: {  	lr =	sadd.s32 s0, s3;
	s0 =	sld [smem:$0x3FA4]  }
0x30: {  	s3 =	sld [smem:$0x3FA7]  }
0x31: {  	[smem:$0x3FB0] =	sst s10  }
0x32: {  	s10 =	sld [smem:$0x3FAE];
	_ =	sdelay $0x3  }
0x33: {  	p0 =	seq.s32 s10, $0x1;
	s10 =	sld [smem:$0x3FB0];
	_ =	sdelay $0x3  }
0x34: {  	[smem:$0x3FB0] =	sst s10  }
0x35: {  	s10 =	sld [smem:$0x3FAF];
	_ =	sdelay $0x3  }
0x36: {  	p1 =	seq.s32 s10, $0x1;
	s10 =	sld [smem:$0x3FB0];
	_ =	sdelay $0x3  }
0x37: {  	[smem:$0x3FB0] =	sst s10  }
0x38: {  	s10 =	sld [smem:$0x3FB1]  }
0x39: {  	_ = 	snop;
	(pc) =	sbr.ind lr, $3  }
0x3a: {  	_ = 	snop  }
0x3b: {  	_ = 	snop  }
0x3c: {  	p2 =	seq.s32 s10, $0x1;
	s10 =	sld [smem:$0x3FB0]  }
0x3d: {  	_ =	shalt  }
0x3e: {  	_ =	shalt  }
0x3f: {  	_ =	shalt  }
0x40: {  	_ =	shalt  }
0x41: {  	_ =	shalt  }
0x42: {  	_ =	shalt  }
0x43: {  	_ =	shalt  }
0x44: {  	_ =	shalt  }
0x45: {  	_ =	shalt  }
0x46: {  	_ =	shalt  }
0x47: {  	_ =	shalt  }
0x48: {  	_ =	shalt  }
0x49: {  	_ =	shalt  }
0x4a: {  	_ =	shalt  }
0x4b: {  	_ =	shalt  }
0x4c: {  	_ =	shalt  }
0x4d: {  	_ =	shalt  }
0x4e: {  	_ =	shalt  }
0x4f: {  	_ =	shalt  }
0x50: {  	_ =	shalt  }
0x51: {  	_ =	shalt  }
0x52: {  	_ =	shalt  }
0x53: {  	_ =	shalt  }
0x54: {  	_ =	shalt  }
0x55: {  	_ =	shalt  }
0x56: {  	_ =	shalt  }
0x57: {  	_ =	shalt  }
0x58: {  	_ =	shalt  }
0x59: {  	_ =	shalt  }
0x5a: {  	_ =	shalt  }
0x5b: {  	_ =	shalt  }
0x5c: {  	_ =	shalt  }
0x5d: {  	_ =	shalt  }
0x5e: {  	_ =	shalt  }
0x5f: {  	_ =	shalt  }
0x60: {  	_ =	shalt  }
0x61: {  	_ =	shalt  }
0x62: {  	_ =	shalt  }
0x63: {  	_ =	shalt  }
0x64: {  	_ =	shalt  }
0x65: {  	_ =	shalt  }
0x66: {  	_ =	shalt  }
0x67: {  	_ =	shalt  }
0x68: {  	_ =	shalt  }
0x69: {  	_ =	shalt  }
0x6a: {  	_ =	shalt  }
0x6b: {  	_ =	shalt  }
0x6c: {  	_ =	shalt  }
0x6d: {  	_ =	shalt  }
0x6e: {  	_ =	shalt  }
0x6f: {  	_ =	shalt  }
0x70: {  	_ =	shalt  }
0x71: {  	_ =	shalt  }
0x72: {  	_ =	shalt  }
0x73: {  	_ =	shalt  }
0x74: {  	_ =	shalt  }
0x75: {  	_ =	shalt  }
0x76: {  	_ =	shalt  }
0x77: {  	_ =	shalt  }
0x78: {  	_ =	shalt  }
0x79: {  	_ =	shalt  }
0x7a: {  	_ =	shalt  }
0x7b: {  	_ =	shalt  }
0x7c: {  	_ =	shalt  }
0x7d: {  	_ =	shalt  }
0x7e: {  	_ =	shalt  }
0x7f: {  	_ =	shalt  }
0x80: {  	_ =	shalt  }
0x81: {  	_ =	shalt  }
0x82: {  	_ =	shalt  }
0x83: {  	_ =	shalt  }
0x84: {  	_ =	shalt  }
0x85: {  	_ =	shalt  }
0x86: {  	_ =	shalt  }
0x87: {  	_ =	shalt  }
.Lfunc_end0:
.L_simem_size_0:
called_computation.1_lowered:
.L_overlay_start_0:
0x88: {  	s2 =	sld [smem:$0x3FD9]  }
0x89: {  	s3 =	sld [smem:$0x3FFE];
	_ =	sdelay $0x1  }
0x8a: {  	s1 =	srdreg.scid  }
0x8b: {  	s0 =	sand.u32 $0x1, s1  }
0x8c: {  	s17 =	sshll.u32 s0, $0xA;
	s2 =	sadd.s32 s3, s2  }
0x8d: {  	s2 =	sadd.s32 s2, s17  }
0x8e: {  	[smem:$0x3FBC] =	sst s2  }
0x8f: {  	_ = 	snop  }
0x90: {  	s2 =	sld [smem:$0x3FC8];
	(tm) =	ssettm $0x1  }
0x91: {  	s18 =	sld [smem:$0x3FFB];
	_ =	sdelay $0x3  }
0x92: {  	_ =	strace s18  }
0x93: {  	s3 =	sld [smem:$0x3FFC];
	_ =	sdelay $0x3  }
0x94: {  	_ =	strace s3  }
0x95: {  	s3 =	sld [smem:$0x3FFD];
	_ =	sdelay $0x3  }
0x96: {  	_ =	strace s3  }
0x97: {  	_ =	strace $0x8FFFFFFF  }
0x98: {  	s19 =	sld [smem:$0x3FDB];
	_ =	sdelay $0x1  }
0x99: {  	s4 =	simm.s32 $_scs_section_size  }
0x9a: {  	s5 =	simm.s32 $_size__tile_overlayer_lowered;
	s6 =	simm.s32 $_tile_overlayer_lowered  }
0x9b: {  	s22 =	simm.s32 $0x1BFF;
	s21 =	sshll.u32 s6, $0x1;
	s3 =	sadd.s32 s4, s19  }
0x9c: {  	s7 =	simm.s32 $0x0;
	s20 =	sshll.u32 s5, $0x1;
	s5 =	sadd.s32 s21, s3  }
0x9d: {  	[timem:s7], [sflag:s22] =	dma.local [hbm:s5], s20  }
0x9e: {  	_ =	swait.ge [sflag:s22], s20  }
0x9f: {  	s4 =	ssub.s32 $0x0, s20;
	[sflag:s22] =	ssyncset.done $0x0  }
0xa0: {  	[sflag:s22] =	ssyncadd.s32 s4;
	_ =	sdelay $0x1  }
0xa1: {  	s23 =	simm.s32 $0x1B8B  }
0xa2: {  	_ =	swait.ge [sflag:s23], $0x1  }
0xa3: {  	[sflag:s23] =	ssyncset.done $0x0  }
0xa4: {  	s25 =	simm.s32 $0x1B8E;
	s24 =	sld [smem:$0x3FFE];
	[sflag:s23] =	ssyncadd.s32 $0xFFFFFFFF  }
0xa5: {  	s26 =	simm.s32 $execute0_lowered;
	[smem:$0x3FD2] =	sst s25  }
0xa6: {  	s5 =	sshll.u32 s26, $0x1;
	_ =	strace $0x80000046;
	[dreg:$0x1] =	wrdreg $0xFFFFFFFF  }
0xa7: {  	s28 =	simm.s32 $_size_execute0_lowered;
	s3 =	sadd.s32 s3, s5;
	[dreg:$0x0] =	wrdreg $0x0  }
0xa8: {  	s5 =	sshll.u32 s28, $0x1;
	[dreg:$0x2] =	wrdreg s3  }
0xa9: {  	[dreg:$0x3] =	wrdreg s5  }
0xaa: {  	[dreg:$0x4] =	wrdreg $0xC0  }
0xab: {  	_ =	task [dreg:s7], $0x5FFFF  }
0xac: {  	[dreg:$0x1] =	wrdreg $0xFFFFFFFF  }
0xad: {  	[dreg:$0x0] =	wrdreg $0x60  }
0xae: {  	[dreg:$0x2] =	wrdreg s2  }
0xaf: {  	[dreg:$0x3] =	wrdreg s24  }
0xb0: {  	[dreg:$0x4] =	wrdreg $0xA  }
0xb1: {  	_ =	task.clear_ibuf [dreg:s7], $0x5FFFF;
	_ =	strace $0x90000046  }
0xb2: {  	s29 =	simm.s32 $0xA;
	_ =	strace $0x80000048  }
0xb3: {  	_ =	swait.ge [sflag:s29], $0x1  }
0xb4: {  	[sflag:s29] =	ssyncadd.s32 $0xFFFFFFFF  }
0xb5: {  	_ =	strace $0x90000048  }
0xb6: {  	_ =	sfence  }
0xb7: {  	s30 =	sld [smem:$0x0];
	_ =	sdelay $0x2  }
0xb8: {  	s31 =	sshll.u32 s1, $0xD;
	s1 =	sshrl.u32 s1, $0x2  }
0xb9: {  	s3 =	sand.u32 $0x4000, s31;
	s1 =	sadd.s32 s1, s30  }
0xba: {  	s0 =	sor.u32 s3, s0;
	s1 =	sshll.u32 s1, $0x11  }
0xbb: {  	s0 =	sor.u32 s1, s0  }
0xbc: {  	s0 =	sadd.s32 $0x8F2B, s0  }
0xbd: {  	[sflag:s0] =	ssyncadd.remote.s32 $0x1  }
0xbe: {  	_ =	sfence.sel $0xFFFF  }
0xbf: {  	[dreg:$0x0] =	wrdreg $0xFFFFFFFF;
	(pc) =	sbr.abs _section_cstart, $3  }
0xc0: {  	[dreg:$0x1] =	wrdreg $0xFFFFFFFF  }
0xc1: {  	_ =	task.clear_ibuf [dreg:s7], $0x2FFFF;
	_ =	strace $0x9FFFFFFF  }
0xc2: {  	(tm) =	ssettm $0x7FFFFFFF  }
0xc3: {  	_ =	shalt  }
tec
execute0_lowered:
.L_overlay_start_1:
0x0: {  	(tag) =	ssettag $0x1  }
0x1: {  	s1 =	srdreg.scid  }
0x2: {  	s5 =	rddreg [dreg:$0x0];
	s0 =	stileid.u32;
	s12 =	sand.u32 $0x1, s1  }
0x3: {  	s10 =	rddreg [dreg:$0x1];
	s3 =	sshll.u32 s0, $0xA;
	s4 =	sshll.u32 s12, $0x9  }
0x4: {  	s2 =	simm.s32 $0x0;
	s1 =	rddreg [dreg:$0x2];
	s11 =	sor.u32 s4, s3  }
0x5: {  	[smem:$0x7FF] =	sst s2;
	s3 =	sshrl.u32 s11, $0x3  }
0x6: {  	_ =	strace $0x80000047;
	s4 =	simm.s32 $0x4;
	s3 =	sadd.s32 s5, s3  }
0x7: {  	[tilespmem:s2], [sflag:$0x4] =	stream.linear.gather [hbm4b:s3+s2], $0x100, $0x38;
	[tilespmem:$0x10200] =	vst v63  }
0x8: {  	s13 =	sor.u32 $0x100, s11;
	_ =	swait.ge [sflag:s4], $0x100  }
0x9: {  	s6 =	sshrl.u32 s13, $0x3;
	[sflag:s4] =	ssyncset.done $0x0  }
0xa: {  	s5 =	sadd.s32 s5, s6;
	s6 =	simm.s32 $0x100;
	[sflag:s4] =	ssyncadd.s32 $0xFFFFFF00  }
0xb: {  	[tilespmem:s6], [sflag:$0x4] =	stream.linear.gather [hbm4b:s5+s2], $0x100, $0x38;
	[tilespmem:$0x10200] =	vst v63  }
0xc: {  	_ =	swait.ge [sflag:s4], $0x100  }
0xd: {  	s8 =	simm.s32 $0x200;
	[sflag:s4] =	ssyncset.done $0x0  }
0xe: {  	s9 =	simm.s32 $0x1;
	s7 =	sadd.s32 $0x1600, s10;
	[sflag:s4] =	ssyncadd.s32 $0xFFFFFF00  }
0xf: {  	[tilespmem:s8], [sflag:$0x1] =	stream.indirect.gather [hbm4b:s7+s6], $0x80, s2, s6, $0xb8;
	[tilespmem:$0x10200] =	vst v63  }
0x10: {  	_ =	swait.ge [sflag:s9], $0x8000  }
0x11: {  	s14 =	sadd.s32 $0x188000, s10;
	s29 =	sshll.u32 s11, $0x4;
	[sflag:s9] =	ssyncset.done $0x0  }
0x12: {  	s15 =	ssub.s32 $0x2, s12;
	s10 =	sadd.s32 s14, s29;
	[sflag:s9] =	ssyncadd.s32 $0xFFFF8000  }
0x13: {  	[hbm4b:s10+s2] =	stream.linear.scatter [tilespmem:s8], [sflag:$0x2], $0x8000, $0x38;
	[tilespmem:$0x10200] =	vst v63  }
0x14: {  	s31 =	sshrl.u32 s15, $0x1;
	s11 =	simm.s32 $0x8200;
	s30 =	sshll.u32 s13, $0x4  }
0x15: {  	[tilespmem:s11], [sflag:$0x1] =	stream.indirect.gather [hbm4b:s7+s6], $0x80, s6, s6, $0xb8;
	[tilespmem:$0x10200] =	vst v63  }
0x16: {  	s12 =	sadd.s32 s14, s30;
	s14 =	ssub.s32 s15, s31;
	_ =	swait.ge [sflag:s9], $0x8000  }
0x17: {  	s15 =	smax.u32 s14, $0x1;
	[sflag:s9] =	ssyncset.done $0x0  }
0x18: {  	s13 =	simm.s32 $0x2;
	p0 =	sne.s32 s15, $0x1;
	[sflag:s9] =	ssyncadd.s32 $0xFFFF8000  }
0x19: {  	[hbm4b:s12+s2] =	stream.linear.scatter [tilespmem:s11], [sflag:$0x3], $0x8000, $0x38;
	[tilespmem:$0x10200] =	vst v63  }
.Ltmp0:
0x1a: {  	_ =	swait.ge [sflag:s13], $0x8000;
	(pc) =	sbr.rel @!p0 .LBB2_2-.Ltmp0, $4  }
0x1b: {  	[sflag:s13] =	ssyncset.done $0x0  }
0x1c: {  	s14 =	simm.s32 $0x3;
	[sflag:s13] =	ssyncadd.s32 $0xFFFF8000  }
0x1d: {  	_ =	swait.ge [sflag:s14], $0x8000  }
0x1e: {  	s15 =	sadd.s32 $0xFFFFFFFF, s15;
	[sflag:s14] =	ssyncset.done $0x0  }
.LBB2_1:
0x1f: {  	p0 =	sne.s32 s15, $0x1;
	s15 =	sadd.s32 $0xFFFFFFFF, s15;
	[sflag:s14] =	ssyncadd.s32 $0xFFFF8000  }
0x20: {  	[tilespmem:s2], [sflag:$0x4] =	stream.linear.gather [hbm4b:s3+s2], $0x100, $0x38;
	[tilespmem:$0x10200] =	vst v63  }
0x21: {  	_ =	swait.ge [sflag:s4], $0x100  }
0x22: {  	[sflag:s4] =	ssyncset.done $0x0  }
0x23: {  	[sflag:s4] =	ssyncadd.s32 $0xFFFFFF00  }
0x24: {  	[tilespmem:s6], [sflag:$0x4] =	stream.linear.gather [hbm4b:s5+s2], $0x100, $0x38;
	[tilespmem:$0x10200] =	vst v63  }
0x25: {  	_ =	swait.ge [sflag:s4], $0x100  }
0x26: {  	[sflag:s4] =	ssyncset.done $0x0  }
0x27: {  	[sflag:s4] =	ssyncadd.s32 $0xFFFFFF00  }
0x28: {  	[tilespmem:s8], [sflag:$0x1] =	stream.indirect.gather [hbm4b:s7+s6], $0x80, s2, s6, $0xb8;
	[tilespmem:$0x10200] =	vst v63  }
0x29: {  	_ =	swait.ge [sflag:s9], $0x8000  }
0x2a: {  	[sflag:s9] =	ssyncset.done $0x0  }
0x2b: {  	[sflag:s9] =	ssyncadd.s32 $0xFFFF8000  }
0x2c: {  	[hbm4b:s10+s2] =	stream.linear.scatter [tilespmem:s8], [sflag:$0x2], $0x8000, $0x38;
	[tilespmem:$0x10200] =	vst v63  }
0x2d: {  	_ = 	snop  }
0x2e: {  	[tilespmem:s11], [sflag:$0x1] =	stream.indirect.gather [hbm4b:s7+s6], $0x80, s6, s6, $0xb8;
	[tilespmem:$0x10200] =	vst v63  }
0x2f: {  	_ =	swait.ge [sflag:s9], $0x8000  }
0x30: {  	[sflag:s9] =	ssyncset.done $0x0  }
0x31: {  	[sflag:s9] =	ssyncadd.s32 $0xFFFF8000  }
0x32: {  	[hbm4b:s12+s2] =	stream.linear.scatter [tilespmem:s11], [sflag:$0x3], $0x8000, $0x38;
	[tilespmem:$0x10200] =	vst v63  }
.Ltmp1:
0x33: {  	_ =	swait.ge [sflag:s13], $0x8000;
	(pc) =	sbr.rel @p0 .LBB2_1-.Ltmp1, $4  }
0x34: {  	[sflag:s13] =	ssyncset.done $0x0  }
0x35: {  	[sflag:s13] =	ssyncadd.s32 $0xFFFF8000  }
0x36: {  	_ =	swait.ge [sflag:s14], $0x8000  }
0x37: {  	[sflag:s14] =	ssyncset.done $0x0  }
.LBB2_2:
0x38: {  	[sflag:s14] =	ssyncadd.s32 $0xFFFF8000  }
0x39: {  	_ =	sfence.sel $0x180000  }
0x3a: {  	[bflag:$0x0] =	sbarrier.arrive $0xFFFF  }
0x3b: {  	p0 =	sne.s32 s0, $0x0;
	_ =	strace $0x90000047  }
0x3c: {  	s0 =	sadd.s32 @!p0 $0x100000, s1;
	[bflag:$0x2] =	sbarrier.arrive $0xFFFF  }
0x3d: {  	[sflag:s0] =	ssyncadd.tile.s32 @!p0 $0x1;
	_ =	shalt  }
.Lfunc_end2:
_tile_overlayer_lowered:
.L_overlay_start_2:
0x3e: {  	(tag) =	ssettag $0x2  }
0x3f: {  	s0 =	rddreg [dreg:$0x0];
	s2 =	stileid.u32  }
0x40: {  	s1 =	rddreg [dreg:$0x1];
	p0 =	sne.s32 s2, $0x0  }
0x41: {  	s3 =	rddreg [dreg:$0x2];
	[bflag:$0x3] =	sbarrier.arrive $0xFFFF;
	s2 =	simm.s32 @!p0 $0x1C04  }
0x42: {  	[timem:s3], [sflag:s2] =	dma.local @!p0 [hbm:s0], s1  }
0x43: {  	s0 =	simm.s32 @!p0 $0x4  }
0x44: {  	_ =	swait.ge @!p0 [sflag:s0], s1  }
0x45: {  	s1 =	ssub.s32 @!p0 $0x0, s1;
	[sflag:s0] =	ssyncset.done @!p0 $0x0  }
0x46: {  	[sflag:s0] =	ssyncadd.s32 @!p0 s1  }
0x47: {  	[bflag:$0x3] =	sbarrier.arrive $0xFFFF  }
0x48: {  	_ =	shalt  }

// kernel: kernel.7.cloned.1.call-start
scs
__scs_entry_jumppad:
0x0: {  	(pc) =	sbr.rel $0x88, $3  }
0x1: {  	(tag) =	ssettag $0x0;
	lr =	simm.s32 $0x1  }
0x2: {  	[smem:$0x3F95] =	sst lr;
	_ =	strace $0xD0000000  }
0x3: {  	_ = 	snop  }
0x4: {  	_ = 	snop  }
0x5: {  	_ = 	snop  }
0x6: {  	_ = 	snop  }
0x7: {  	_ = 	snop  }
__scs_overlays_trampoline_lowered:
0x8: {  	[smem:$0x3FA4] =	sst s0  }
0x9: {  	[smem:$0x3FA5] =	sst s1  }
0xa: {  	[smem:$0x3FA6] =	sst s2  }
0xb: {  	[smem:$0x3FA7] =	sst s3  }
0xc: {  	[smem:$0x3FA8] =	sst s4  }
0xd: {  	[smem:$0x3FA9] =	sst s5  }
0xe: {  	[smem:$0x3FAA] =	sst s6  }
0xf: {  	[smem:$0x3FAB] =	sst s7  }
0x10: {  	[smem:$0x3FAC] =	sst s8  }
0x11: {  	[smem:$0x3FAD] =	sst s9;
	s0 =	simm.s32 @!p0 $0x0  }
0x12: {  	s1 =	sld [smem:$0x3F93];
	s0 =	simm.s32 @p0 $0x1  }
0x13: {  	[smem:$0x3FAE] =	sst s0;
	s0 =	simm.s32 @!p1 $0x0  }
0x14: {  	s2 =	sld [smem:$0x3F92];
	s0 =	simm.s32 @p1 $0x1  }
0x15: {  	[smem:$0x3FAF] =	sst s0;
	s0 =	simm.s32 @!p2 $0x0  }
0x16: {  	s3 =	sld [smem:$0x3FDB];
	s0 =	simm.s32 @p2 $0x1  }
0x17: {  	s4 =	simm.s32 $0x1BF5;
	[smem:$0x3FB1] =	sst s0  }
0x18: {  	s0 =	sld [smem:$0x3F94];
	_ =	swait.ge [sflag:s4], $0x0  }
0x19: {  	s7 =	sld [smem:$0x3F95]  }
0x1a: {  	s8 =	sadd.s32 $0xFFFFE003, lr  }
0x1b: {  	s9 =	sadd.s32 $0xFFFFFEF7, lr;
	s5 =	simm.s32 $0xFFFFFFFF;
	p2 =	slt.u32 s8, $0xFFFFF086  }
0x1c: {  	p1 =	slt.u32 s9, $0xF7A;
	s5 =	simm.s32 @!p2 $0x0  }
0x1d: {  	s5 =	simm.s32 @p1 $0x1;
	p0 =	seq.s32 s7, s2  }
0x1e: {  	s7 =	smul.u32 @!p0 $0xF7A, s2;
	p2 =	seq.s32 @!p0 s5, $0x0  }
0x1f: {  	s9 =	smul.u32 $0xF7A, s1;
	s8 =	simm.s32 @!p0 $0x1BF5;
	p2 =	por !p2, p0  }
0x20: {  	[sflag:s8] =	ssyncset.s32 @!p0 $0xFFFFF086;
	s6 =	sadd.s32 @!p0 s3, s7;
	s7 =	simm.s32 @!p0 $0x108  }
0x21: {  	s3 =	sadd.s32 s3, s9;
	s6 =	sadd.s32 @!p0 $0x88, s6;
	s7 =	simm.s32 @p2 $0x1082  }
0x22: {  	[simem:s7], [sflag:s8] =	dma.local @!p0 [hbm:s6], $0xF7A  }
0x23: {  	s9 =	sor.u32 $0xD0000000, s2;
	s6 =	simm.s32 $0x108;
	_ =	swait.ge @!p0 [sflag:s8], $0x0  }
0x24: {  	s3 =	sadd.s32 $0x88, s3;
	s6 =	simm.s32 @!p1 $0x1082;
	[sflag:s4] =	ssyncset.s32 $0xFFFFF086  }
0x25: {  	[simem:s6], [sflag:s4] =	dma.local [hbm:s3], $0xF7A  }
0x26: {  	[smem:$0x3F95] =	sst s1;
	(tag) =	ssettag s2;
	_ =	strace s9  }
0x27: {  	s1 =	sld [smem:$0x3FA5]  }
0x28: {  	s2 =	sld [smem:$0x3FA6]  }
0x29: {  	s4 =	sld [smem:$0x3FA8]  }
0x2a: {  	p0 =	seq.s32 s5, $0x0;
	s5 =	sld [smem:$0x3FA9]  }
0x2b: {  	s6 =	sld [smem:$0x3FAA]  }
0x2c: {  	s7 =	sld [smem:$0x3FAB]  }
0x2d: {  	s3 =	simm.s32 $0x108;
	s8 =	sld [smem:$0x3FAC]  }
0x2e: {  	s3 =	simm.s32 @!p0 $0x1082;
	s9 =	sld [smem:$0x3FAD]  }
0x2f: {  	lr =	sadd.s32 s0, s3;
	s0 =	sld [smem:$0x3FA4]  }
0x30: {  	s3 =	sld [smem:$0x3FA7]  }
0x31: {  	[smem:$0x3FB0] =	sst s10  }
0x32: {  	s10 =	sld [smem:$0x3FAE];
	_ =	sdelay $0x3  }
0x33: {  	p0 =	seq.s32 s10, $0x1;
	s10 =	sld [smem:$0x3FB0];
	_ =	sdelay $0x3  }
0x34: {  	[smem:$0x3FB0] =	sst s10  }
0x35: {  	s10 =	sld [smem:$0x3FAF];
	_ =	sdelay $0x3  }
0x36: {  	p1 =	seq.s32 s10, $0x1;
	s10 =	sld [smem:$0x3FB0];
	_ =	sdelay $0x3  }
0x37: {  	[smem:$0x3FB0] =	sst s10  }
0x38: {  	s10 =	sld [smem:$0x3FB1]  }
0x39: {  	_ = 	snop;
	(pc) =	sbr.ind lr, $3  }
0x3a: {  	_ = 	snop  }
0x3b: {  	_ = 	snop  }
0x3c: {  	p2 =	seq.s32 s10, $0x1;
	s10 =	sld [smem:$0x3FB0]  }
0x3d: {  	_ =	shalt  }
0x3e: {  	_ =	shalt  }
0x3f: {  	_ =	shalt  }
0x40: {  	_ =	shalt  }
0x41: {  	_ =	shalt  }
0x42: {  	_ =	shalt  }
0x43: {  	_ =	shalt  }
0x44: {  	_ =	shalt  }
0x45: {  	_ =	shalt  }
0x46: {  	_ =	shalt  }
0x47: {  	_ =	shalt  }
0x48: {  	_ =	shalt  }
0x49: {  	_ =	shalt  }
0x4a: {  	_ =	shalt  }
0x4b: {  	_ =	shalt  }
0x4c: {  	_ =	shalt  }
0x4d: {  	_ =	shalt  }
0x4e: {  	_ =	shalt  }
0x4f: {  	_ =	shalt  }
0x50: {  	_ =	shalt  }
0x51: {  	_ =	shalt  }
0x52: {  	_ =	shalt  }
0x53: {  	_ =	shalt  }
0x54: {  	_ =	shalt  }
0x55: {  	_ =	shalt  }
0x56: {  	_ =	shalt  }
0x57: {  	_ =	shalt  }
0x58: {  	_ =	shalt  }
0x59: {  	_ =	shalt  }
0x5a: {  	_ =	shalt  }
0x5b: {  	_ =	shalt  }
0x5c: {  	_ =	shalt  }
0x5d: {  	_ =	shalt  }
0x5e: {  	_ =	shalt  }
0x5f: {  	_ =	shalt  }
0x60: {  	_ =	shalt  }
0x61: {  	_ =	shalt  }
0x62: {  	_ =	shalt  }
0x63: {  	_ =	shalt  }
0x64: {  	_ =	shalt  }
0x65: {  	_ =	shalt  }
0x66: {  	_ =	shalt  }
0x67: {  	_ =	shalt  }
0x68: {  	_ =	shalt  }
0x69: {  	_ =	shalt  }
0x6a: {  	_ =	shalt  }
0x6b: {  	_ =	shalt  }
0x6c: {  	_ =	shalt  }
0x6d: {  	_ =	shalt  }
0x6e: {  	_ =	shalt  }
0x6f: {  	_ =	shalt  }
0x70: {  	_ =	shalt  }
0x71: {  	_ =	shalt  }
0x72: {  	_ =	shalt  }
0x73: {  	_ =	shalt  }
0x74: {  	_ =	shalt  }
0x75: {  	_ =	shalt  }
0x76: {  	_ =	shalt  }
0x77: {  	_ =	shalt  }
0x78: {  	_ =	shalt  }
0x79: {  	_ =	shalt  }
0x7a: {  	_ =	shalt  }
0x7b: {  	_ =	shalt  }
0x7c: {  	_ =	shalt  }
0x7d: {  	_ =	shalt  }
0x7e: {  	_ =	shalt  }
0x7f: {  	_ =	shalt  }
0x80: {  	_ =	shalt  }
0x81: {  	_ =	shalt  }
0x82: {  	_ =	shalt  }
0x83: {  	_ =	shalt  }
0x84: {  	_ =	shalt  }
0x85: {  	_ =	shalt  }
0x86: {  	_ =	shalt  }
0x87: {  	_ =	shalt  }
.Lfunc_end0:
.L_simem_size_0:
called_computation_lowered:
.L_overlay_start_0:
0x88: {  	s2 =	sld [smem:$0x3FD9]  }
0x89: {  	s3 =	sld [smem:$0x3FFE];
	_ =	sdelay $0x1  }
0x8a: {  	s1 =	srdreg.scid  }
0x8b: {  	s0 =	sand.u32 $0x1, s1  }
0x8c: {  	s17 =	sshll.u32 s0, $0xA;
	s2 =	sadd.s32 s3, s2  }
0x8d: {  	s2 =	sadd.s32 s2, s17  }
0x8e: {  	[smem:$0x3FBC] =	sst s2  }
0x8f: {  	_ = 	snop  }
0x90: {  	s18 =	sld [smem:$0x3FC9];
	(tm) =	ssettm $0x1  }
0x91: {  	s19 =	sld [smem:$0x3FFB];
	_ =	sdelay $0x3  }
0x92: {  	_ =	strace s19  }
0x93: {  	s2 =	sld [smem:$0x3FFC];
	_ =	sdelay $0x3  }
0x94: {  	_ =	strace s2  }
0x95: {  	s2 =	sld [smem:$0x3FFD];
	_ =	sdelay $0x3  }
0x96: {  	_ =	strace s2  }
0x97: {  	_ =	strace $0x8FFFFFFF  }
0x98: {  	s20 =	sld [smem:$0x3FDB];
	_ =	sdelay $0x1  }
0x99: {  	s4 =	simm.s32 $_scs_section_size  }
0x9a: {  	s5 =	simm.s32 $_size__tile_overlayer_lowered;
	s6 =	simm.s32 $_tile_overlayer_lowered  }
0x9b: {  	s7 =	simm.s32 $0x1BFF;
	s21 =	sshll.u32 s6, $0x1;
	s4 =	sadd.s32 s4, s20  }
0x9c: {  	s22 =	simm.s32 $0x0;
	s5 =	sshll.u32 s5, $0x1;
	s6 =	sadd.s32 s21, s4  }
0x9d: {  	[timem:s22], [sflag:s7] =	dma.local [hbm:s6], s5  }
0x9e: {  	_ =	swait.ge [sflag:s7], s5  }
0x9f: {  	s5 =	ssub.s32 $0x0, s5;
	[sflag:s7] =	ssyncset.done $0x0  }
0xa0: {  	[sflag:s7] =	ssyncadd.s32 s5;
	_ =	sdelay $0x1  }
0xa1: {  	s23 =	simm.s32 $0x1B8B  }
0xa2: {  	_ =	swait.ge [sflag:s23], $0x1  }
0xa3: {  	[sflag:s23] =	ssyncset.done $0x0  }
0xa4: {  	[sflag:s23] =	ssyncadd.s32 $0xFFFFFFFF  }
0xa5: {  	s5 =	sld [smem:$0x0]  }
0xa6: {  	s6 =	sand.u32 $0xFFFFFFFE, s1  }
0xa7: {  	p0 =	sne.s32 s1, s6  }
0xa8: {  	s6 =	sshll.u32 @p0 s6, $0xE  }
0xa9: {  	s6 =	sadd.s32 @p0 $0x11B8D, s6;
	s7 =	sshll.u32 @p0 s5, $0x11  }
0xaa: {  	s6 =	sor.u32 @p0 s7, s6  }
0xab: {  	[sflag:s6] =	ssyncadd.remote.s32 @p0 $0x1;
	_ =	sdelay $0x1  }
0xac: {  	s6 =	simm.s32 @p0 $0x1B8D  }
0xad: {  	_ =	swait.eq @p0 [sflag:s6], $0x1  }
0xae: {  	[sflag:s6] =	ssyncadd.s32 @p0 $0xFFFFFFFF  }
0xaf: {  	s7 =	sshll.u32 @!p0 s1, $0xE  }
0xb0: {  	s7 =	sor.u32 @!p0 $0x4000, s7;
	s6 =	simm.s32 @!p0 $0x1B8D  }
0xb1: {  	s5 =	sshll.u32 @!p0 s5, $0x11;
	s7 =	sadd.s32 @!p0 $0x11B8D, s7;
	_ =	swait.eq @!p0 [sflag:s6], $0x1  }
0xb2: {  	s5 =	sor.u32 @!p0 s5, s7;
	[sflag:s6] =	ssyncadd.s32 @!p0 $0xFFFFFFFF  }
0xb3: {  	s25 =	simm.s32 $0x1B8E;
	s24 =	sld [smem:$0x3FFE];
	[sflag:s5] =	ssyncadd.remote.s32 @!p0 $0x1  }
0xb4: {  	s26 =	simm.s32 $execute0_lowered;
	[smem:$0x3FD2] =	sst s25  }
0xb5: {  	s6 =	sshll.u32 s26, $0x1;
	_ =	strace $0x80000049;
	[dreg:$0x1] =	wrdreg $0xFFFFFFFF  }
0xb6: {  	s28 =	simm.s32 $_size_execute0_lowered;
	s4 =	sadd.s32 s4, s6;
	[dreg:$0x0] =	wrdreg $0x0  }
0xb7: {  	s6 =	sshll.u32 s28, $0x1;
	[dreg:$0x2] =	wrdreg s4  }
0xb8: {  	[dreg:$0x3] =	wrdreg s6  }
0xb9: {  	[dreg:$0x4] =	wrdreg $0xC0  }
0xba: {  	_ =	task [dreg:s22], $0x5FFFF  }
0xbb: {  	[dreg:$0x1] =	wrdreg $0xFFFFFFFF  }
0xbc: {  	[dreg:$0x0] =	wrdreg $0x60  }
0xbd: {  	[dreg:$0x2] =	wrdreg s18  }
0xbe: {  	[dreg:$0x3] =	wrdreg s24  }
0xbf: {  	[dreg:$0x4] =	wrdreg $0x9  }
0xc0: {  	_ =	task.clear_ibuf [dreg:s22], $0x5FFFF;
	_ =	strace $0x90000049  }
0xc1: {  	s29 =	simm.s32 $0x9;
	_ =	strace $0x8000004B  }
0xc2: {  	_ =	swait.ge [sflag:s29], $0x1  }
0xc3: {  	[sflag:s29] =	ssyncadd.s32 $0xFFFFFFFF  }
0xc4: {  	_ =	strace $0x9000004B  }
0xc5: {  	_ =	sfence  }
0xc6: {  	s30 =	sld [smem:$0x0];
	_ =	sdelay $0x2  }
0xc7: {  	s31 =	sshll.u32 s1, $0xD;
	s1 =	sshrl.u32 s1, $0x2  }
0xc8: {  	s4 =	sand.u32 $0x4000, s31;
	s1 =	sadd.s32 s1, s30  }
0xc9: {  	s0 =	sor.u32 s4, s0;
	s1 =	sshll.u32 s1, $0x11  }
0xca: {  	s0 =	sor.u32 s1, s0  }
0xcb: {  	s0 =	sadd.s32 $0x8F2B, s0  }
0xcc: {  	[sflag:s0] =	ssyncadd.remote.s32 $0x1  }
0xcd: {  	_ =	sfence.sel $0xFFFF  }
0xce: {  	[dreg:$0x0] =	wrdreg $0xFFFFFFFF;
	(pc) =	sbr.abs _section_cstart, $3  }
0xcf: {  	[dreg:$0x1] =	wrdreg $0xFFFFFFFF  }
0xd0: {  	_ =	task.clear_ibuf [dreg:s22], $0x2FFFF;
	_ =	strace $0x9FFFFFFF  }
0xd1: {  	(tm) =	ssettm $0x7FFFFFFF  }
tec
execute0_lowered:
.L_overlay_start_1:
0x0: {  	(tag) =	ssettag $0x1  }
0x1: {  	s1 =	srdreg.scid  }
0x2: {  	s5 =	rddreg [dreg:$0x0];
	s0 =	stileid.u32;
	s12 =	sand.u32 $0x1, s1  }
0x3: {  	s10 =	rddreg [dreg:$0x1];
	s3 =	sshll.u32 s0, $0xA;
	s4 =	sshll.u32 s12, $0x9  }
0x4: {  	s2 =	simm.s32 $0x0;
	s1 =	rddreg [dreg:$0x2];
	s11 =	sor.u32 s4, s3  }
0x5: {  	[smem:$0x7FF] =	sst s2;
	s3 =	sshrl.u32 s11, $0x3  }
0x6: {  	_ =	strace $0x8000004A;
	s4 =	simm.s32 $0x4;
	s3 =	sadd.s32 s5, s3  }
0x7: {  	[tilespmem:s2], [sflag:$0x4] =	stream.linear.gather [hbm4b:s3+s2], $0x100, $0x38;
	[tilespmem:$0x10200] =	vst v63  }
0x8: {  	s13 =	sor.u32 $0x100, s11;
	_ =	swait.ge [sflag:s4], $0x100  }
0x9: {  	s6 =	sshrl.u32 s13, $0x3;
	[sflag:s4] =	ssyncset.done $0x0  }
0xa: {  	s5 =	sadd.s32 s5, s6;
	s6 =	simm.s32 $0x100;
	[sflag:s4] =	ssyncadd.s32 $0xFFFFFF00  }
0xb: {  	[tilespmem:s6], [sflag:$0x4] =	stream.linear.gather [hbm4b:s5+s2], $0x100, $0x38;
	[tilespmem:$0x10200] =	vst v63  }
0xc: {  	_ =	swait.ge [sflag:s4], $0x100  }
0xd: {  	s8 =	simm.s32 $0x200;
	[sflag:s4] =	ssyncset.done $0x0  }
0xe: {  	s9 =	simm.s32 $0x1;
	s7 =	sadd.s32 $0x1C8000, s10;
	[sflag:s4] =	ssyncadd.s32 $0xFFFFFF00  }
0xf: {  	[tilespmem:s8], [sflag:$0x1] =	stream.indirect.gather [hbm4b:s7+s6], $0x80, s2, s6, $0xb8;
	[tilespmem:$0x10200] =	vst v63  }
0x10: {  	_ =	swait.ge [sflag:s9], $0x8000  }
0x11: {  	s14 =	sadd.s32 $0x34EA00, s10;
	s29 =	sshll.u32 s11, $0x4;
	[sflag:s9] =	ssyncset.done $0x0  }
0x12: {  	s15 =	ssub.s32 $0x2, s12;
	s10 =	sadd.s32 s14, s29;
	[sflag:s9] =	ssyncadd.s32 $0xFFFF8000  }
0x13: {  	[hbm4b:s10+s2] =	stream.linear.scatter [tilespmem:s8], [sflag:$0x2], $0x8000, $0x38;
	[tilespmem:$0x10200] =	vst v63  }
0x14: {  	s31 =	sshrl.u32 s15, $0x1;
	s11 =	simm.s32 $0x8200;
	s30 =	sshll.u32 s13, $0x4  }
0x15: {  	[tilespmem:s11], [sflag:$0x1] =	stream.indirect.gather [hbm4b:s7+s6], $0x80, s6, s6, $0xb8;
	[tilespmem:$0x10200] =	vst v63  }
0x16: {  	s12 =	sadd.s32 s14, s30;
	s14 =	ssub.s32 s15, s31;
	_ =	swait.ge [sflag:s9], $0x8000  }
0x17: {  	s15 =	smax.u32 s14, $0x1;
	[sflag:s9] =	ssyncset.done $0x0  }
0x18: {  	s13 =	simm.s32 $0x2;
	p0 =	sne.s32 s15, $0x1;
	[sflag:s9] =	ssyncadd.s32 $0xFFFF8000  }
0x19: {  	[hbm4b:s12+s2] =	stream.linear.scatter [tilespmem:s11], [sflag:$0x3], $0x8000, $0x38;
	[tilespmem:$0x10200] =	vst v63  }
.Ltmp0:
0x1a: {  	_ =	swait.ge [sflag:s13], $0x8000;
	(pc) =	sbr.rel @!p0 .LBB2_2-.Ltmp0, $4  }
0x1b: {  	[sflag:s13] =	ssyncset.done $0x0  }
0x1c: {  	s14 =	simm.s32 $0x3;
	[sflag:s13] =	ssyncadd.s32 $0xFFFF8000  }
0x1d: {  	_ =	swait.ge [sflag:s14], $0x8000  }
0x1e: {  	s15 =	sadd.s32 $0xFFFFFFFF, s15;
	[sflag:s14] =	ssyncset.done $0x0  }
.LBB2_1:
0x1f: {  	p0 =	sne.s32 s15, $0x1;
	s15 =	sadd.s32 $0xFFFFFFFF, s15;
	[sflag:s14] =	ssyncadd.s32 $0xFFFF8000  }
0x20: {  	[tilespmem:s2], [sflag:$0x4] =	stream.linear.gather [hbm4b:s3+s2], $0x100, $0x38;
	[tilespmem:$0x10200] =	vst v63  }
0x21: {  	_ =	swait.ge [sflag:s4], $0x100  }
0x22: {  	[sflag:s4] =	ssyncset.done $0x0  }
0x23: {  	[sflag:s4] =	ssyncadd.s32 $0xFFFFFF00  }
0x24: {  	[tilespmem:s6], [sflag:$0x4] =	stream.linear.gather [hbm4b:s5+s2], $0x100, $0x38;
	[tilespmem:$0x10200] =	vst v63  }
0x25: {  	_ =	swait.ge [sflag:s4], $0x100  }
0x26: {  	[sflag:s4] =	ssyncset.done $0x0  }
0x27: {  	[sflag:s4] =	ssyncadd.s32 $0xFFFFFF00  }
0x28: {  	[tilespmem:s8], [sflag:$0x1] =	stream.indirect.gather [hbm4b:s7+s6], $0x80, s2, s6, $0xb8;
	[tilespmem:$0x10200] =	vst v63  }
0x29: {  	_ =	swait.ge [sflag:s9], $0x8000  }
0x2a: {  	[sflag:s9] =	ssyncset.done $0x0  }
0x2b: {  	[sflag:s9] =	ssyncadd.s32 $0xFFFF8000  }
0x2c: {  	[hbm4b:s10+s2] =	stream.linear.scatter [tilespmem:s8], [sflag:$0x2], $0x8000, $0x38;
	[tilespmem:$0x10200] =	vst v63  }
0x2d: {  	_ = 	snop  }
0x2e: {  	[tilespmem:s11], [sflag:$0x1] =	stream.indirect.gather [hbm4b:s7+s6], $0x80, s6, s6, $0xb8;
	[tilespmem:$0x10200] =	vst v63  }
0x2f: {  	_ =	swait.ge [sflag:s9], $0x8000  }
0x30: {  	[sflag:s9] =	ssyncset.done $0x0  }
0x31: {  	[sflag:s9] =	ssyncadd.s32 $0xFFFF8000  }
0x32: {  	[hbm4b:s12+s2] =	stream.linear.scatter [tilespmem:s11], [sflag:$0x3], $0x8000, $0x38;
	[tilespmem:$0x10200] =	vst v63  }
.Ltmp1:
0x33: {  	_ =	swait.ge [sflag:s13], $0x8000;
	(pc) =	sbr.rel @p0 .LBB2_1-.Ltmp1, $4  }
0x34: {  	[sflag:s13] =	ssyncset.done $0x0  }
0x35: {  	[sflag:s13] =	ssyncadd.s32 $0xFFFF8000  }
0x36: {  	_ =	swait.ge [sflag:s14], $0x8000  }
0x37: {  	[sflag:s14] =	ssyncset.done $0x0  }
.LBB2_2:
0x38: {  	[sflag:s14] =	ssyncadd.s32 $0xFFFF8000  }
0x39: {  	_ =	sfence.sel $0x180000  }
0x3a: {  	[bflag:$0x0] =	sbarrier.arrive $0xFFFF  }
0x3b: {  	p0 =	sne.s32 s0, $0x0;
	_ =	strace $0x9000004A  }
0x3c: {  	s0 =	sadd.s32 @!p0 $0x100000, s1;
	[bflag:$0x2] =	sbarrier.arrive $0xFFFF  }
0x3d: {  	[sflag:s0] =	ssyncadd.tile.s32 @!p0 $0x1;
	_ =	shalt  }
.Lfunc_end2:
_tile_overlayer_lowered:
.L_overlay_start_2:
0x3e: {  	(tag) =	ssettag $0x2  }
0x3f: {  	s0 =	rddreg [dreg:$0x0];
	s2 =	stileid.u32  }
0x40: {  	s1 =	rddreg [dreg:$0x1];
	p0 =	sne.s32 s2, $0x0  }
0x41: {  	s3 =	rddreg [dreg:$0x2];
	[bflag:$0x3] =	sbarrier.arrive $0xFFFF;
	s2 =	simm.s32 @!p0 $0x1C04  }
0x42: {  	[timem:s3], [sflag:s2] =	dma.local @!p0 [hbm:s0], s1  }
0x43: {  	s0 =	simm.s32 @!p0 $0x4  }
0x44: {  	_ =	swait.ge @!p0 [sflag:s0], s1  }
0x45: {  	s1 =	ssub.s32 @!p0 $0x0, s1;
	[sflag:s0] =	ssyncset.done @!p0 $0x0  }
0x46: {  	[sflag:s0] =	ssyncadd.s32 @!p0 s1  }
0x47: {  	[bflag:$0x3] =	sbarrier.arrive $0xFFFF  }
0x48: {  	_ =	shalt  }

</sc_bundles>
